<compile_context>
chip_gen: v7x
topology: tpu7x:2x2x1
jax: 0.10.2.dev20260603
libtpu: 0.0.44.dev20260713+nightly
codegen_flags: <defaults>
</compile_context>

<pallas_src>
import functools

import jax
import jax.numpy as jnp
from jax import lax
from jax.experimental import pallas as pl
from jax.experimental.pallas import tpu as pltpu
from jax.experimental.pallas import tpu_sc as plsc

BATCH = 16384
EMBED = 32
N_USERS = 1000000
_INFO = plsc.get_sparse_core_info()
NC, NS, L = _INFO.num_cores, _INFO.num_subcores, _INFO.num_lanes
NW = NC * NS
B_PER_W = BATCH // NW
N_CHUNK = 2
CHUNK = B_PER_W // N_CHUNK

PROJ_BLK = 65536


def _tc_proj_body(w_ref, b_ref, t_ref, o_ref):
    w = w_ref[...]
    prod = jnp.dot(w, t_ref[...],
                   preferred_element_type=jnp.float32)
    o_ref[...] = prod.reshape(o_ref.shape[0]) + b_ref[0, 0]


def _tc_project(table_t, w_row, bias11):
    n = table_t.shape[1]
    grid = (n + PROJ_BLK - 1) // PROJ_BLK
    return pl.pallas_call(
        _tc_proj_body,
        grid=(grid,),
        in_specs=[
            pl.BlockSpec((1, EMBED), lambda i: (0, 0)),
            pl.BlockSpec((1, 1), lambda i: (0, 0)),
            pl.BlockSpec((EMBED, PROJ_BLK), lambda i: (0, i)),
        ],
        out_specs=pl.BlockSpec((PROJ_BLK,), lambda i: (i,)),
        out_shape=jax.ShapeDtypeStruct((n,), jnp.float32),
    )(w_row, bias11, table_t)


def _sc_body(users_hbm, autos_hbm, pu_hbm, pa_hbm,
             out_hbm, idx_u, idx_a, gu, ga, out_v,
             sem, sem_u, sem_a):
    wid = lax.axis_index("s") * NC + lax.axis_index("c")

    cu = pltpu.async_copy(users_hbm.at[wid], idx_u, sem_u)
    ca = pltpu.async_copy(autos_hbm.at[wid], idx_a, sem_a)

    copies = []
    cu.wait()
    for j in range(N_CHUNK):
        copies.append(pltpu.async_copy(
            pu_hbm.at[idx_u.at[j]], gu.at[pl.ds(j * CHUNK, CHUNK)], sem))
    ca.wait()
    for j in range(N_CHUNK):
        copies.append(pltpu.async_copy(
            pa_hbm.at[idx_a.at[j]], ga.at[pl.ds(j * CHUNK, CHUNK)], sem))
    for c in copies:
        c.wait()

    def body(k, carry):
        sl = pl.ds(k * L, L)
        out_v[sl] = gu[sl] + ga[sl]
        return carry

    lax.fori_loop(0, B_PER_W // L, body, 0)

    pltpu.sync_copy(out_v, out_hbm.at[pl.ds(wid * B_PER_W, B_PER_W)])


def _sc_gather(users_r, autos_r, pu, pa):
    mesh = plsc.VectorSubcoreMesh(core_axis_name="c", subcore_axis_name="s")
    f = functools.partial(
        pl.kernel, mesh=mesh,
        compiler_params=pltpu.CompilerParams(needs_layout_passes=False,
                                             use_tc_tiling_on_sc=False),
        out_type=jax.ShapeDtypeStruct((BATCH,), jnp.float32),
        scratch_types=[
            pltpu.VMEM((N_CHUNK, CHUNK), jnp.int32),
            pltpu.VMEM((N_CHUNK, CHUNK), jnp.int32),
            pltpu.VMEM((B_PER_W,), jnp.float32),
            pltpu.VMEM((B_PER_W,), jnp.float32),
            pltpu.VMEM((B_PER_W,), jnp.float32),
            pltpu.SemaphoreType.DMA,
            pltpu.SemaphoreType.DMA,
            pltpu.SemaphoreType.DMA,
        ],
    )(_sc_body)
    return f(users_r, autos_r, pu, pa)


@jax.jit
def _run(users_r, autos_r, user_table_t, auto_table_t, W, b):
    wf = W.astype(jnp.float32)
    wu = wf[:EMBED].reshape(1, EMBED)
    wa = wf[EMBED:].reshape(1, EMBED)
    zero11 = jnp.zeros((1, 1), jnp.float32)
    b11 = b.astype(jnp.float32).reshape(1, 1)

    pu = _tc_project(user_table_t, wu, zero11)
    pa = _tc_project(auto_table_t, wa, b11)

    return _sc_gather(users_r, autos_r, pu, pa)


def kernel(users, autos, user_table, auto_table, W, b):
    users_r = users.astype(jnp.int32).reshape(NW, N_CHUNK, CHUNK)
    autos_r = autos.astype(jnp.int32).reshape(NW, N_CHUNK, CHUNK)
    out = _run(users_r, autos_r, user_table.T, auto_table.T, W, b)
    return out.reshape(BATCH, 1)

# --- scband reference (transcript-rebuilt; emitter-appended) ---
"""Pipeline reference for scband-rec-model-27058293965370 (READ-ONLY COPY).

The authoritative reference and input builder live on the scoring server;
editing this copy changes nothing except your own understanding.
"""

import jax, jax.numpy as jnp
import numpy as np

N_USERS = 1000000
N_AUTOS = 100000
EMBED_DIM = 32
BATCH = 16384

def setup_inputs(seed: int = 0) -> dict:
    key = jax.random.key(seed)
    k1, k2, k3, k4, k5, k6 = jax.random.split(key, 6)
    users = jax.random.randint(k1, (BATCH,), 0, N_USERS, dtype=jnp.int64) if jax.config.jax_enable_x64 else jax.random.randint(k1, (BATCH,), 0, N_USERS, dtype=jnp.int32)
    autos = jax.random.randint(k2, (BATCH,), 0, N_AUTOS, dtype=jnp.int32)
    user_table = jax.random.normal(k3, (N_USERS, EMBED_DIM), dtype=jnp.float32)
    auto_table = jax.random.normal(k4, (N_AUTOS, EMBED_DIM), dtype=jnp.float32)
    W = jax.random.normal(k5, (2 * EMBED_DIM, 1), dtype=jnp.float32) * (1.0 / np.sqrt(2 * EMBED_DIM))
    b = jax.random.normal(k6, (1,), dtype=jnp.float32) * 0.01
    return {"users": users, "autos": autos, "user_table": user_table, "auto_table": auto_table, "W": W, "b": b}

def reference(users, autos, user_table, auto_table, W, b):
    user_embeds = jnp.take(user_table, users, axis=0)
    auto_embeds = jnp.take(auto_table, autos, axis=0)
    output = jnp.concatenate([user_embeds, auto_embeds], axis=1)
    output = output @ W + b
    return output

if __name__ == "__main__":
    import jax
    _d = setup_inputs()
    print(jax.jit(kernel)(*tuple(_d.values())))

</pallas_src>

<mosaic_0001>
#map = affine_map<(d0, d1) -> (0, 0, 0)>
#map1 = affine_map<(d0, d1) -> (0)>
module attributes {stable_mosaic.version = 14 : i64} {
  func.func @_sc_body(%arg0: i32, %arg1: i32, %arg2: memref<32x2x256xi32, #tpu.memory_space<hbm>>, %arg3: memref<32x2x256xi32, #tpu.memory_space<hbm>>, %arg4: memref<1000000xf32, #tpu.memory_space<hbm>>, %arg5: memref<100000xf32, #tpu.memory_space<hbm>>, %arg6: memref<16384xf32, #tpu.memory_space<hbm>>, %arg7: memref<2x256xi32, #tpu.memory_space<vmem>>, %arg8: memref<2x256xi32, #tpu.memory_space<vmem>>, %arg9: memref<512xf32, #tpu.memory_space<vmem>>, %arg10: memref<512xf32, #tpu.memory_space<vmem>>, %arg11: memref<512xf32, #tpu.memory_space<vmem>>, %arg12: memref<!tpu.dma_semaphore, #tpu.memory_space<semaphore_mem>>, %arg13: memref<!tpu.dma_semaphore, #tpu.memory_space<semaphore_mem>>, %arg14: memref<!tpu.dma_semaphore, #tpu.memory_space<semaphore_mem>>) attributes {dimension_semantics = [#tpu.dimension_semantics<core_parallel>, #tpu.dimension_semantics<subcore_parallel>], iteration_bounds = array<i64: 2, 16>, scalar_prefetch = 0 : i64, scratch_operands = 8 : i64, tpu.core_type = #tpu.core_type<sc_vector_subcore>, window_params = [{transform_indices = #map}, {transform_indices = #map}, {transform_indices = #map1}, {transform_indices = #map1}, {transform_indices = #map1}]} {
    %mul3A = arith.constant 2 : i32
    %mul3A_0 = arith.muli %arg1, %mul3A : i32
    %add3A = arith.addi %mul3A_0, %arg0 : i32
    %dma_start3A = arith.constant 0 : i32
    %dma_start3A_1 = arith.constant 0 : i32
    %dma_start3A_2 = tpu.memref_slice %arg2[%add3A, %dma_start3A, %dma_start3A_1] : memref<32x2x256xi32, #tpu.memory_space<hbm>> -> memref<1x2x256xi32, #tpu.memory_space<hbm>>
    %dma_start3A_3 = tpu.memref_squeeze %dma_start3A_2 : memref<1x2x256xi32, #tpu.memory_space<hbm>> -> memref<2x256xi32, #tpu.memory_space<hbm>>
    %dma_start3A_4 = arith.constant 0 : i32
    %dma_start3A_5 = arith.constant 0 : i32
    %dma_start3A_6 = tpu.memref_slice %arg2[%add3A, %dma_start3A_4, %dma_start3A_5] : memref<32x2x256xi32, #tpu.memory_space<hbm>> -> memref<1x2x256xi32, #tpu.memory_space<hbm>>
    %dma_start3A_7 = tpu.memref_squeeze %dma_start3A_6 : memref<1x2x256xi32, #tpu.memory_space<hbm>> -> memref<2x256xi32, #tpu.memory_space<hbm>>
    tpu.enqueue_dma source(%dma_start3A_7 : memref<2x256xi32, #tpu.memory_space<hbm>>) target(%arg7 : memref<2x256xi32, #tpu.memory_space<vmem>>) target_semaphore(%arg13 : memref<!tpu.dma_semaphore, #tpu.memory_space<semaphore_mem>>)
    %dma_start3A_8 = arith.constant 0 : i32
    %dma_start3A_9 = arith.constant 0 : i32
    %dma_start3A_10 = tpu.memref_slice %arg3[%add3A, %dma_start3A_8, %dma_start3A_9] : memref<32x2x256xi32, #tpu.memory_space<hbm>> -> memref<1x2x256xi32, #tpu.memory_space<hbm>>
    %dma_start3A_11 = tpu.memref_squeeze %dma_start3A_10 : memref<1x2x256xi32, #tpu.memory_space<hbm>> -> memref<2x256xi32, #tpu.memory_space<hbm>>
    %dma_start3A_12 = arith.constant 0 : i32
    %dma_start3A_13 = arith.constant 0 : i32
    %dma_start3A_14 = tpu.memref_slice %arg3[%add3A, %dma_start3A_12, %dma_start3A_13] : memref<32x2x256xi32, #tpu.memory_space<hbm>> -> memref<1x2x256xi32, #tpu.memory_space<hbm>>
    %dma_start3A_15 = tpu.memref_squeeze %dma_start3A_14 : memref<1x2x256xi32, #tpu.memory_space<hbm>> -> memref<2x256xi32, #tpu.memory_space<hbm>>
    tpu.enqueue_dma source(%dma_start3A_15 : memref<2x256xi32, #tpu.memory_space<hbm>>) target(%arg8 : memref<2x256xi32, #tpu.memory_space<vmem>>) target_semaphore(%arg14 : memref<!tpu.dma_semaphore, #tpu.memory_space<semaphore_mem>>)
    %dma_wait3A = arith.constant 0 : i32
    %dma_wait3A_16 = arith.constant 0 : i32
    %dma_wait3A_17 = tpu.memref_slice %arg2[%add3A, %dma_wait3A, %dma_wait3A_16] : memref<32x2x256xi32, #tpu.memory_space<hbm>> -> memref<1x2x256xi32, #tpu.memory_space<hbm>>
    %dma_wait3A_18 = tpu.memref_squeeze %dma_wait3A_17 : memref<1x2x256xi32, #tpu.memory_space<hbm>> -> memref<2x256xi32, #tpu.memory_space<hbm>>
    %dma_wait3A_19 = arith.constant 0 : i32
    %dma_wait3A_20 = arith.constant 0 : i32
    %dma_wait3A_21 = tpu.memref_slice %arg2[%add3A, %dma_wait3A_19, %dma_wait3A_20] : memref<32x2x256xi32, #tpu.memory_space<hbm>> -> memref<1x2x256xi32, #tpu.memory_space<hbm>>
    %dma_wait3A_22 = tpu.memref_squeeze %dma_wait3A_21 : memref<1x2x256xi32, #tpu.memory_space<hbm>> -> memref<2x256xi32, #tpu.memory_space<hbm>>
    tpu.wait_dma2 semaphore(%arg13 : memref<!tpu.dma_semaphore, #tpu.memory_space<semaphore_mem>>) src(%dma_wait3A_22 : memref<2x256xi32, #tpu.memory_space<hbm>>) dst(%arg7 : memref<2x256xi32, #tpu.memory_space<vmem>>)
    %dma_start3A_23 = arith.constant 0 : i32
    %dma_start3A_24 = arith.constant 0 : i32
    %dma_start3A_25 = tpu.memref_slice %arg9[%dma_start3A_24] : memref<512xf32, #tpu.memory_space<vmem>> -> memref<256xf32, #tpu.memory_space<vmem>>
    %dma_start3A_26 = arith.constant 0 : i32
    %dma_start3A_27 = tpu.memref_slice %arg7[%dma_start3A_23, %dma_start3A_26] : memref<2x256xi32, #tpu.memory_space<vmem>> -> memref<1x256xi32, #tpu.memory_space<vmem>>
    %dma_start3A_28 = tpu.memref_squeeze %dma_start3A_27 : memref<1x256xi32, #tpu.memory_space<vmem>> -> memref<256xi32, #tpu.memory_space<vmem>>
    %dma_start3A_29 = arith.constant 0 : i32
    %dma_start3A_30 = tpu.memref_slice %arg4[%dma_start3A_29] : memref<1000000xf32, #tpu.memory_space<hbm>> -> memref<1000000xf32, #tpu.memory_space<hbm>>
    tpu.enqueue_indirect_dma source(%dma_start3A_30 : memref<1000000xf32, #tpu.memory_space<hbm>>) target(%dma_start3A_25 : memref<256xf32, #tpu.memory_space<vmem>>) offsets(%dma_start3A_28 : memref<256xi32, #tpu.memory_space<vmem>>) semaphore(%arg12 : memref<!tpu.dma_semaphore, #tpu.memory_space<semaphore_mem>>)
    %dma_start3A_31 = arith.constant 1 : i32
    %dma_start3A_32 = arith.constant 256 : i32
    %dma_start3A_33 = tpu.memref_slice %arg9[%dma_start3A_32] : memref<512xf32, #tpu.memory_space<vmem>> -> memref<256xf32, #tpu.memory_space<vmem>>
    %dma_start3A_34 = arith.constant 0 : i32
    %dma_start3A_35 = tpu.memref_slice %arg7[%dma_start3A_31, %dma_start3A_34] : memref<2x256xi32, #tpu.memory_space<vmem>> -> memref<1x256xi32, #tpu.memory_space<vmem>>
    %dma_start3A_36 = tpu.memref_squeeze %dma_start3A_35 : memref<1x256xi32, #tpu.memory_space<vmem>> -> memref<256xi32, #tpu.memory_space<vmem>>
    %dma_start3A_37 = arith.constant 0 : i32
    %dma_start3A_38 = tpu.memref_slice %arg4[%dma_start3A_37] : memref<1000000xf32, #tpu.memory_space<hbm>> -> memref<1000000xf32, #tpu.memory_space<hbm>>
    tpu.enqueue_indirect_dma source(%dma_start3A_38 : memref<1000000xf32, #tpu.memory_space<hbm>>) target(%dma_start3A_33 : memref<256xf32, #tpu.memory_space<vmem>>) offsets(%dma_start3A_36 : memref<256xi32, #tpu.memory_space<vmem>>) semaphore(%arg12 : memref<!tpu.dma_semaphore, #tpu.memory_space<semaphore_mem>>)
    %dma_wait3A_39 = arith.constant 0 : i32
    %dma_wait3A_40 = arith.constant 0 : i32
    %dma_wait3A_41 = tpu.memref_slice %arg3[%add3A, %dma_wait3A_39, %dma_wait3A_40] : memref<32x2x256xi32, #tpu.memory_space<hbm>> -> memref<1x2x256xi32, #tpu.memory_space<hbm>>
    %dma_wait3A_42 = tpu.memref_squeeze %dma_wait3A_41 : memref<1x2x256xi32, #tpu.memory_space<hbm>> -> memref<2x256xi32, #tpu.memory_space<hbm>>
    %dma_wait3A_43 = arith.constant 0 : i32
    %dma_wait3A_44 = arith.constant 0 : i32
    %dma_wait3A_45 = tpu.memref_slice %arg3[%add3A, %dma_wait3A_43, %dma_wait3A_44] : memref<32x2x256xi32, #tpu.memory_space<hbm>> -> memref<1x2x256xi32, #tpu.memory_space<hbm>>
    %dma_wait3A_46 = tpu.memref_squeeze %dma_wait3A_45 : memref<1x2x256xi32, #tpu.memory_space<hbm>> -> memref<2x256xi32, #tpu.memory_space<hbm>>
    tpu.wait_dma2 semaphore(%arg14 : memref<!tpu.dma_semaphore, #tpu.memory_space<semaphore_mem>>) src(%dma_wait3A_46 : memref<2x256xi32, #tpu.memory_space<hbm>>) dst(%arg8 : memref<2x256xi32, #tpu.memory_space<vmem>>)
    %dma_start3A_47 = arith.constant 0 : i32
    %dma_start3A_48 = arith.constant 0 : i32
    %dma_start3A_49 = tpu.memref_slice %arg10[%dma_start3A_48] : memref<512xf32, #tpu.memory_space<vmem>> -> memref<256xf32, #tpu.memory_space<vmem>>
    %dma_start3A_50 = arith.constant 0 : i32
    %dma_start3A_51 = tpu.memref_slice %arg8[%dma_start3A_47, %dma_start3A_50] : memref<2x256xi32, #tpu.memory_space<vmem>> -> memref<1x256xi32, #tpu.memory_space<vmem>>
    %dma_start3A_52 = tpu.memref_squeeze %dma_start3A_51 : memref<1x256xi32, #tpu.memory_space<vmem>> -> memref<256xi32, #tpu.memory_space<vmem>>
    %dma_start3A_53 = arith.constant 0 : i32
    %dma_start3A_54 = tpu.memref_slice %arg5[%dma_start3A_53] : memref<100000xf32, #tpu.memory_space<hbm>> -> memref<100000xf32, #tpu.memory_space<hbm>>
    tpu.enqueue_indirect_dma source(%dma_start3A_54 : memref<100000xf32, #tpu.memory_space<hbm>>) target(%dma_start3A_49 : memref<256xf32, #tpu.memory_space<vmem>>) offsets(%dma_start3A_52 : memref<256xi32, #tpu.memory_space<vmem>>) semaphore(%arg12 : memref<!tpu.dma_semaphore, #tpu.memory_space<semaphore_mem>>)
    %dma_start3A_55 = arith.constant 1 : i32
    %dma_start3A_56 = arith.constant 256 : i32
    %dma_start3A_57 = tpu.memref_slice %arg10[%dma_start3A_56] : memref<512xf32, #tpu.memory_space<vmem>> -> memref<256xf32, #tpu.memory_space<vmem>>
    %dma_start3A_58 = arith.constant 0 : i32
    %dma_start3A_59 = tpu.memref_slice %arg8[%dma_start3A_55, %dma_start3A_58] : memref<2x256xi32, #tpu.memory_space<vmem>> -> memref<1x256xi32, #tpu.memory_space<vmem>>
    %dma_start3A_60 = tpu.memref_squeeze %dma_start3A_59 : memref<1x256xi32, #tpu.memory_space<vmem>> -> memref<256xi32, #tpu.memory_space<vmem>>
    %dma_start3A_61 = arith.constant 0 : i32
    %dma_start3A_62 = tpu.memref_slice %arg5[%dma_start3A_61] : memref<100000xf32, #tpu.memory_space<hbm>> -> memref<100000xf32, #tpu.memory_space<hbm>>
    tpu.enqueue_indirect_dma source(%dma_start3A_62 : memref<100000xf32, #tpu.memory_space<hbm>>) target(%dma_start3A_57 : memref<256xf32, #tpu.memory_space<vmem>>) offsets(%dma_start3A_60 : memref<256xi32, #tpu.memory_space<vmem>>) semaphore(%arg12 : memref<!tpu.dma_semaphore, #tpu.memory_space<semaphore_mem>>)
    %dma_wait3A_63 = arith.constant 0 : i32
    %dma_wait3A_64 = arith.constant 0 : i32
    %dma_wait3A_65 = tpu.memref_slice %arg9[%dma_wait3A_64] : memref<512xf32, #tpu.memory_space<vmem>> -> memref<256xf32, #tpu.memory_space<vmem>>
    %dma_wait3A_66 = arith.constant 0 : i32
    %dma_wait3A_67 = tpu.memref_slice %arg7[%dma_wait3A_63, %dma_wait3A_66] : memref<2x256xi32, #tpu.memory_space<vmem>> -> memref<1x256xi32, #tpu.memory_space<vmem>>
    %dma_wait3A_68 = tpu.memref_squeeze %dma_wait3A_67 : memref<1x256xi32, #tpu.memory_space<vmem>> -> memref<256xi32, #tpu.memory_space<vmem>>
    %dma_wait3A_69 = arith.constant 0 : i32
    %dma_wait3A_70 = tpu.memref_slice %arg4[%dma_wait3A_69] : memref<1000000xf32, #tpu.memory_space<hbm>> -> memref<1000000xf32, #tpu.memory_space<hbm>>
    tpu.wait_indirect_dma semaphore(%arg12 : memref<!tpu.dma_semaphore, #tpu.memory_space<semaphore_mem>>) src(%dma_wait3A_70 : memref<1000000xf32, #tpu.memory_space<hbm>>) dst(%dma_wait3A_65 : memref<256xf32, #tpu.memory_space<vmem>>)
    %dma_wait3A_71 = arith.constant 1 : i32
    %dma_wait3A_72 = arith.constant 256 : i32
    %dma_wait3A_73 = tpu.memref_slice %arg9[%dma_wait3A_72] : memref<512xf32, #tpu.memory_space<vmem>> -> memref<256xf32, #tpu.memory_space<vmem>>
    %dma_wait3A_74 = arith.constant 0 : i32
    %dma_wait3A_75 = tpu.memref_slice %arg7[%dma_wait3A_71, %dma_wait3A_74] : memref<2x256xi32, #tpu.memory_space<vmem>> -> memref<1x256xi32, #tpu.memory_space<vmem>>
    %dma_wait3A_76 = tpu.memref_squeeze %dma_wait3A_75 : memref<1x256xi32, #tpu.memory_space<vmem>> -> memref<256xi32, #tpu.memory_space<vmem>>
    %dma_wait3A_77 = arith.constant 0 : i32
    %dma_wait3A_78 = tpu.memref_slice %arg4[%dma_wait3A_77] : memref<1000000xf32, #tpu.memory_space<hbm>> -> memref<1000000xf32, #tpu.memory_space<hbm>>
    tpu.wait_indirect_dma semaphore(%arg12 : memref<!tpu.dma_semaphore, #tpu.memory_space<semaphore_mem>>) src(%dma_wait3A_78 : memref<1000000xf32, #tpu.memory_space<hbm>>) dst(%dma_wait3A_73 : memref<256xf32, #tpu.memory_space<vmem>>)
    %dma_wait3A_79 = arith.constant 0 : i32
    %dma_wait3A_80 = arith.constant 0 : i32
    %dma_wait3A_81 = tpu.memref_slice %arg10[%dma_wait3A_80] : memref<512xf32, #tpu.memory_space<vmem>> -> memref<256xf32, #tpu.memory_space<vmem>>
    %dma_wait3A_82 = arith.constant 0 : i32
    %dma_wait3A_83 = tpu.memref_slice %arg8[%dma_wait3A_79, %dma_wait3A_82] : memref<2x256xi32, #tpu.memory_space<vmem>> -> memref<1x256xi32, #tpu.memory_space<vmem>>
    %dma_wait3A_84 = tpu.memref_squeeze %dma_wait3A_83 : memref<1x256xi32, #tpu.memory_space<vmem>> -> memref<256xi32, #tpu.memory_space<vmem>>
    %dma_wait3A_85 = arith.constant 0 : i32
    %dma_wait3A_86 = tpu.memref_slice %arg5[%dma_wait3A_85] : memref<100000xf32, #tpu.memory_space<hbm>> -> memref<100000xf32, #tpu.memory_space<hbm>>
    tpu.wait_indirect_dma semaphore(%arg12 : memref<!tpu.dma_semaphore, #tpu.memory_space<semaphore_mem>>) src(%dma_wait3A_86 : memref<100000xf32, #tpu.memory_space<hbm>>) dst(%dma_wait3A_81 : memref<256xf32, #tpu.memory_space<vmem>>)
    %dma_wait3A_87 = arith.constant 1 : i32
    %dma_wait3A_88 = arith.constant 256 : i32
    %dma_wait3A_89 = tpu.memref_slice %arg10[%dma_wait3A_88] : memref<512xf32, #tpu.memory_space<vmem>> -> memref<256xf32, #tpu.memory_space<vmem>>
    %dma_wait3A_90 = arith.constant 0 : i32
    %dma_wait3A_91 = tpu.memref_slice %arg8[%dma_wait3A_87, %dma_wait3A_90] : memref<2x256xi32, #tpu.memory_space<vmem>> -> memref<1x256xi32, #tpu.memory_space<vmem>>
    %dma_wait3A_92 = tpu.memref_squeeze %dma_wait3A_91 : memref<1x256xi32, #tpu.memory_space<vmem>> -> memref<256xi32, #tpu.memory_space<vmem>>
    %dma_wait3A_93 = arith.constant 0 : i32
    %dma_wait3A_94 = tpu.memref_slice %arg5[%dma_wait3A_93] : memref<100000xf32, #tpu.memory_space<hbm>> -> memref<100000xf32, #tpu.memory_space<hbm>>
    tpu.wait_indirect_dma semaphore(%arg12 : memref<!tpu.dma_semaphore, #tpu.memory_space<semaphore_mem>>) src(%dma_wait3A_94 : memref<100000xf32, #tpu.memory_space<hbm>>) dst(%dma_wait3A_89 : memref<256xf32, #tpu.memory_space<vmem>>)
    %scan3A = arith.constant 0 : i32
    %scan3A_95 = arith.constant 0 : i32
    %scan3A_96 = arith.constant 32 : i32
    %scan3A_97 = arith.addi %scan3A_95, %scan3A_96 : i32
    %scan3A_98 = arith.constant 1 : i32
    scf.for %scan3A_102 = %scan3A_95 to %scan3A_97 step %scan3A_98  : i32 {
      %mul3A_103 = arith.constant 16 : i32
      %mul3A_104 = arith.muli %scan3A_102, %mul3A_103 : i32
      %get3A = arith.index_cast %mul3A_104 : i32 to index
      %get3A_105 = tpu.vector_load %arg9[%get3A] {strides = array<i32>} : memref<512xf32, #tpu.memory_space<vmem>>, vector<16xf32>,
      %get3A_106 = arith.index_cast %mul3A_104 : i32 to index
      %get3A_107 = tpu.vector_load %arg10[%get3A_106] {strides = array<i32>} : memref<512xf32, #tpu.memory_space<vmem>>, vector<16xf32>,
      %add3A_108 = arith.addf %get3A_105, %get3A_107 : vector<16xf32>
      %swap3A = arith.index_cast %mul3A_104 : i32 to index
      %swap3A_109 = tpu.vector_load %arg11[%swap3A] {strides = array<i32>} : memref<512xf32, #tpu.memory_space<vmem>>, vector<16xf32>,
      tpu.vector_store %arg11[%swap3A], %add3A_108 {strides = array<i32>} : memref<512xf32, #tpu.memory_space<vmem>>, vector<16xf32>,
    }
    %scan3A_99 = arith.constant 32 : i32
    %mul3A_100 = arith.constant 512 : i32
    %mul3A_101 = arith.muli %add3A, %mul3A_100 : i32
    "tpu.region"() ({
      %run_scoped3A = tpu.sem_alloc : memref<!tpu.dma_semaphore, #tpu.memory_space<semaphore_mem>>
      %dma_start3A_102 = tpu.memref_slice %arg6[%mul3A_101] : memref<16384xf32, #tpu.memory_space<hbm>> -> memref<512xf32, #tpu.memory_space<hbm>>
      %dma_start3A_103 = tpu.memref_slice %arg6[%mul3A_101] : memref<16384xf32, #tpu.memory_space<hbm>> -> memref<512xf32, #tpu.memory_space<hbm>>
      tpu.enqueue_dma source(%arg11 : memref<512xf32, #tpu.memory_space<vmem>>) target(%dma_start3A_103 : memref<512xf32, #tpu.memory_space<hbm>>) target_semaphore(%run_scoped3A : memref<!tpu.dma_semaphore, #tpu.memory_space<semaphore_mem>>)
      %dma_wait3A_104 = tpu.memref_slice %arg6[%mul3A_101] : memref<16384xf32, #tpu.memory_space<hbm>> -> memref<512xf32, #tpu.memory_space<hbm>>
      %dma_wait3A_105 = tpu.memref_slice %arg6[%mul3A_101] : memref<16384xf32, #tpu.memory_space<hbm>> -> memref<512xf32, #tpu.memory_space<hbm>>
      tpu.wait_dma2 semaphore(%run_scoped3A : memref<!tpu.dma_semaphore, #tpu.memory_space<semaphore_mem>>) src(%arg11 : memref<512xf32, #tpu.memory_space<vmem>>) dst(%dma_wait3A_105 : memref<512xf32, #tpu.memory_space<hbm>>)
      tpu.yield
    }) : () -> ()
    return
  }
}

module attributes {stable_mosaic.version = 14 : i64} {
  func.func @_tc_proj_body(%arg0: i32, %arg1: memref<1x32xf32, #tpu.memory_space<vmem>>, %arg2: memref<1x1xf32, #tpu.memory_space<vmem>>, %arg3: memref<32x65536xf32, #tpu.memory_space<vmem>>, %arg4: memref<65536xf32, #tpu.memory_space<vmem>>) attributes {dimension_semantics = [#tpu.dimension_semantics<arbitrary>], iteration_bounds = array<i64: 2>, scalar_prefetch = 0 : i64, scratch_operands = 0 : i64, tpu.core_type = #tpu.core_type<tc>, window_params = [{pipeline_mode = #tpu.pipeline_mode<synchronous>, transform_indices = @transform_0, window_bounds = array<i64: 1, 32>}, {pipeline_mode = #tpu.pipeline_mode<synchronous>, transform_indices = @transform_1, window_bounds = array<i64: 1, 1>}, {transform_indices = @transform_2, window_bounds = array<i64: 32, 65536>}, {transform_indices = @transform_3, window_bounds = array<i64: 65536>}]} {
    %get3A = arith.constant 0 : index
    %get3A_0 = arith.constant 0 : index
    %get3A_1 = vector.load %arg1[%get3A, %get3A_0] : memref<1x32xf32, #tpu.memory_space<vmem>>, vector<1x32xf32>
    %get3A_2 = arith.constant 0 : index
    %get3A_3 = arith.constant 0 : index
    %get3A_4 = vector.load %arg3[%get3A_2, %get3A_3] : memref<32x65536xf32, #tpu.memory_space<vmem>>, vector<32x65536xf32>
    %dot_general3A = arith.constant dense<0.000000e+00> : vector<1x65536xf32>
    %dot_general3A_5 = tpu.matmul %get3A_1, %get3A_4, %dot_general3A {dimension_numbers = #tpu.dot_dimension_numbers<[1], [0], [0], [1], [0, 0, 1, 1], [], []>, transpose_lhs_hint = false} : vector<1x32xf32>, vector<32x65536xf32>, vector<1x65536xf32> -> vector<1x65536xf32>
    %reshape3A = vector.shape_cast %dot_general3A_5 : vector<1x65536xf32> to vector<65536xf32>
    %get3A_6 = arith.constant 0 : index
    %get3A_7 = arith.constant 0 : index
    %get3A_8 = vector.load %arg2[%get3A_6, %get3A_7] : memref<1x1xf32, #tpu.memory_space<vmem>>, vector<1x1xf32>
    %get3A_9 = vector.extract %get3A_8[0, 0] : f32 from vector<1x1xf32>
    %add3A = vector.broadcast %get3A_9 : f32 to vector<65536xf32>
    %add3A_10 = arith.addf %reshape3A, %add3A : vector<65536xf32>
    %swap3A = arith.constant 0 : index
    %swap3A_11 = vector.load %arg4[%swap3A] : memref<65536xf32, #tpu.memory_space<vmem>>, vector<65536xf32>
    tpu.vector_store %arg4[%swap3A], %add3A_10 {strides = array<i32>} : memref<65536xf32, #tpu.memory_space<vmem>>, vector<65536xf32>,
    return
  }
  func.func @transform_0(%arg0: i32) -> (i32, i32) {
    %c0_i32 = arith.constant 0 : i32
    %c0_i32_0 = arith.constant 0 : i32
    %c0_i32_1 = arith.constant 0 : i32
    return %c0_i32, %c0_i32_0 : i32, i32
  }
  func.func @transform_1(%arg0: i32) -> (i32, i32) {
    %c0_i32 = arith.constant 0 : i32
    %c0_i32_0 = arith.constant 0 : i32
    %c0_i32_1 = arith.constant 0 : i32
    return %c0_i32, %c0_i32_0 : i32, i32
  }
  func.func @transform_2(%arg0: i32) -> (i32, i32) {
    %c0_i32 = arith.constant 0 : i32
    %c0_i32_0 = arith.constant 0 : i32
    return %c0_i32, %arg0 : i32, i32
  }
  func.func @transform_3(%arg0: i32) -> i32 {
    %c0_i32 = arith.constant 0 : i32
    return %arg0 : i32
  }
}

module attributes {stable_mosaic.version = 14 : i64} {
  func.func @_tc_proj_body(%arg0: i32, %arg1: memref<1x32xf32, #tpu.memory_space<vmem>>, %arg2: memref<1x1xf32, #tpu.memory_space<vmem>>, %arg3: memref<32x65536xf32, #tpu.memory_space<vmem>>, %arg4: memref<65536xf32, #tpu.memory_space<vmem>>) attributes {dimension_semantics = [#tpu.dimension_semantics<arbitrary>], iteration_bounds = array<i64: 16>, scalar_prefetch = 0 : i64, scratch_operands = 0 : i64, tpu.core_type = #tpu.core_type<tc>, window_params = [{pipeline_mode = #tpu.pipeline_mode<synchronous>, transform_indices = @transform_0, window_bounds = array<i64: 1, 32>}, {pipeline_mode = #tpu.pipeline_mode<synchronous>, transform_indices = @transform_1, window_bounds = array<i64: 1, 1>}, {transform_indices = @transform_2, window_bounds = array<i64: 32, 65536>}, {transform_indices = @transform_3, window_bounds = array<i64: 65536>}]} {
    %get3A = arith.constant 0 : index
    %get3A_0 = arith.constant 0 : index
    %get3A_1 = vector.load %arg1[%get3A, %get3A_0] : memref<1x32xf32, #tpu.memory_space<vmem>>, vector<1x32xf32>
    %get3A_2 = arith.constant 0 : index
    %get3A_3 = arith.constant 0 : index
    %get3A_4 = vector.load %arg3[%get3A_2, %get3A_3] : memref<32x65536xf32, #tpu.memory_space<vmem>>, vector<32x65536xf32>
    %dot_general3A = arith.constant dense<0.000000e+00> : vector<1x65536xf32>
    %dot_general3A_5 = tpu.matmul %get3A_1, %get3A_4, %dot_general3A {dimension_numbers = #tpu.dot_dimension_numbers<[1], [0], [0], [1], [0, 0, 1, 1], [], []>, transpose_lhs_hint = false} : vector<1x32xf32>, vector<32x65536xf32>, vector<1x65536xf32> -> vector<1x65536xf32>
    %reshape3A = vector.shape_cast %dot_general3A_5 : vector<1x65536xf32> to vector<65536xf32>
    %get3A_6 = arith.constant 0 : index
    %get3A_7 = arith.constant 0 : index
    %get3A_8 = vector.load %arg2[%get3A_6, %get3A_7] : memref<1x1xf32, #tpu.memory_space<vmem>>, vector<1x1xf32>
    %get3A_9 = vector.extract %get3A_8[0, 0] : f32 from vector<1x1xf32>
    %add3A = vector.broadcast %get3A_9 : f32 to vector<65536xf32>
    %add3A_10 = arith.addf %reshape3A, %add3A : vector<65536xf32>
    %swap3A = arith.constant 0 : index
    %swap3A_11 = vector.load %arg4[%swap3A] : memref<65536xf32, #tpu.memory_space<vmem>>, vector<65536xf32>
    tpu.vector_store %arg4[%swap3A], %add3A_10 {strides = array<i32>} : memref<65536xf32, #tpu.memory_space<vmem>>, vector<65536xf32>,
    return
  }
  func.func @transform_0(%arg0: i32) -> (i32, i32) {
    %c0_i32 = arith.constant 0 : i32
    %c0_i32_0 = arith.constant 0 : i32
    %c0_i32_1 = arith.constant 0 : i32
    return %c0_i32, %c0_i32_0 : i32, i32
  }
  func.func @transform_1(%arg0: i32) -> (i32, i32) {
    %c0_i32 = arith.constant 0 : i32
    %c0_i32_0 = arith.constant 0 : i32
    %c0_i32_1 = arith.constant 0 : i32
    return %c0_i32, %c0_i32_0 : i32, i32
  }
  func.func @transform_2(%arg0: i32) -> (i32, i32) {
    %c0_i32 = arith.constant 0 : i32
    %c0_i32_0 = arith.constant 0 : i32
    return %c0_i32, %arg0 : i32, i32
  }
  func.func @transform_3(%arg0: i32) -> i32 {
    %c0_i32 = arith.constant 0 : i32
    return %arg0 : i32
  }
}

</mosaic_0001>

<sc_bundles>
// kernel: _run.5.cloned.1.call-start
scs
__scs_entry_jumppad:
0x0: {  	(pc) =	sbr.rel $0x88, $3  }
0x1: {  	(tag) =	ssettag $0x0;
	lr =	simm.s32 $0x1  }
0x2: {  	[smem:$0x3F9B] =	sst lr;
	_ =	strace $0xD0000000  }
0x3: {  	_ = 	snop  }
0x4: {  	_ = 	snop  }
0x5: {  	_ = 	snop  }
0x6: {  	_ = 	snop  }
0x7: {  	_ = 	snop  }
__scs_overlays_trampoline_lowered:
0x8: {  	[smem:$0x3FAA] =	sst s0  }
0x9: {  	[smem:$0x3FAB] =	sst s1  }
0xa: {  	[smem:$0x3FAC] =	sst s2  }
0xb: {  	[smem:$0x3FAD] =	sst s3  }
0xc: {  	[smem:$0x3FAE] =	sst s4  }
0xd: {  	[smem:$0x3FAF] =	sst s5  }
0xe: {  	[smem:$0x3FB0] =	sst s6  }
0xf: {  	[smem:$0x3FB1] =	sst s7  }
0x10: {  	[smem:$0x3FB2] =	sst s8  }
0x11: {  	[smem:$0x3FB3] =	sst s9;
	s0 =	simm.s32 @!p0 $0x0  }
0x12: {  	s1 =	sld [smem:$0x3F99];
	s0 =	simm.s32 @p0 $0x1  }
0x13: {  	[smem:$0x3FB4] =	sst s0;
	s0 =	simm.s32 @!p1 $0x0  }
0x14: {  	s2 =	sld [smem:$0x3F98];
	s0 =	simm.s32 @p1 $0x1  }
0x15: {  	[smem:$0x3FB5] =	sst s0;
	s0 =	simm.s32 @!p2 $0x0  }
0x16: {  	s3 =	sld [smem:$0x3FDB];
	s0 =	simm.s32 @p2 $0x1  }
0x17: {  	s4 =	simm.s32 $0x1BF5;
	[smem:$0x3FB7] =	sst s0  }
0x18: {  	s0 =	sld [smem:$0x3F9A];
	_ =	swait.ge [sflag:s4], $0x0  }
0x19: {  	s7 =	sld [smem:$0x3F9B]  }
0x1a: {  	s8 =	sadd.s32 $0xFFFFE003, lr  }
0x1b: {  	s9 =	sadd.s32 $0xFFFFFEF7, lr;
	s5 =	simm.s32 $0xFFFFFFFF;
	p2 =	slt.u32 s8, $0xFFFFF086  }
0x1c: {  	p1 =	slt.u32 s9, $0xF7A;
	s5 =	simm.s32 @!p2 $0x0  }
0x1d: {  	s5 =	simm.s32 @p1 $0x1;
	p0 =	seq.s32 s7, s2  }
0x1e: {  	s7 =	smul.u32 @!p0 $0xF7A, s2;
	p2 =	seq.s32 @!p0 s5, $0x0  }
0x1f: {  	s9 =	smul.u32 $0xF7A, s1;
	s8 =	simm.s32 @!p0 $0x1BF5;
	p2 =	por !p2, p0  }
0x20: {  	[sflag:s8] =	ssyncset.s32 @!p0 $0xFFFFF086;
	s6 =	sadd.s32 @!p0 s3, s7;
	s7 =	simm.s32 @!p0 $0x108  }
0x21: {  	s3 =	sadd.s32 s3, s9;
	s6 =	sadd.s32 @!p0 $0x88, s6;
	s7 =	simm.s32 @p2 $0x1082  }
0x22: {  	[simem:s7], [sflag:s8] =	dma.local @!p0 [hbm:s6], $0xF7A  }
0x23: {  	s9 =	sor.u32 $0xD0000000, s2;
	s6 =	simm.s32 $0x108;
	_ =	swait.ge @!p0 [sflag:s8], $0x0  }
0x24: {  	s3 =	sadd.s32 $0x88, s3;
	s6 =	simm.s32 @!p1 $0x1082;
	[sflag:s4] =	ssyncset.s32 $0xFFFFF086  }
0x25: {  	[simem:s6], [sflag:s4] =	dma.local [hbm:s3], $0xF7A  }
0x26: {  	[smem:$0x3F9B] =	sst s1;
	(tag) =	ssettag s2;
	_ =	strace s9  }
0x27: {  	s1 =	sld [smem:$0x3FAB]  }
0x28: {  	s2 =	sld [smem:$0x3FAC]  }
0x29: {  	s4 =	sld [smem:$0x3FAE]  }
0x2a: {  	p0 =	seq.s32 s5, $0x0;
	s5 =	sld [smem:$0x3FAF]  }
0x2b: {  	s6 =	sld [smem:$0x3FB0]  }
0x2c: {  	s7 =	sld [smem:$0x3FB1]  }
0x2d: {  	s3 =	simm.s32 $0x108;
	s8 =	sld [smem:$0x3FB2]  }
0x2e: {  	s3 =	simm.s32 @!p0 $0x1082;
	s9 =	sld [smem:$0x3FB3]  }
0x2f: {  	lr =	sadd.s32 s0, s3;
	s0 =	sld [smem:$0x3FAA]  }
0x30: {  	s3 =	sld [smem:$0x3FAD]  }
0x31: {  	[smem:$0x3FB6] =	sst s10  }
0x32: {  	s10 =	sld [smem:$0x3FB4];
	_ =	sdelay $0x3  }
0x33: {  	p0 =	seq.s32 s10, $0x1;
	s10 =	sld [smem:$0x3FB6];
	_ =	sdelay $0x3  }
0x34: {  	[smem:$0x3FB6] =	sst s10  }
0x35: {  	s10 =	sld [smem:$0x3FB5];
	_ =	sdelay $0x3  }
0x36: {  	p1 =	seq.s32 s10, $0x1;
	s10 =	sld [smem:$0x3FB6];
	_ =	sdelay $0x3  }
0x37: {  	[smem:$0x3FB6] =	sst s10  }
0x38: {  	s10 =	sld [smem:$0x3FB7]  }
0x39: {  	_ = 	snop;
	(pc) =	sbr.ind lr, $3  }
0x3a: {  	_ = 	snop  }
0x3b: {  	_ = 	snop  }
0x3c: {  	p2 =	seq.s32 s10, $0x1;
	s10 =	sld [smem:$0x3FB6]  }
0x3d: {  	_ =	shalt  }
0x3e: {  	_ =	shalt  }
0x3f: {  	_ =	shalt  }
0x40: {  	_ =	shalt  }
0x41: {  	_ =	shalt  }
0x42: {  	_ =	shalt  }
0x43: {  	_ =	shalt  }
0x44: {  	_ =	shalt  }
0x45: {  	_ =	shalt  }
0x46: {  	_ =	shalt  }
0x47: {  	_ =	shalt  }
0x48: {  	_ =	shalt  }
0x49: {  	_ =	shalt  }
0x4a: {  	_ =	shalt  }
0x4b: {  	_ =	shalt  }
0x4c: {  	_ =	shalt  }
0x4d: {  	_ =	shalt  }
0x4e: {  	_ =	shalt  }
0x4f: {  	_ =	shalt  }
0x50: {  	_ =	shalt  }
0x51: {  	_ =	shalt  }
0x52: {  	_ =	shalt  }
0x53: {  	_ =	shalt  }
0x54: {  	_ =	shalt  }
0x55: {  	_ =	shalt  }
0x56: {  	_ =	shalt  }
0x57: {  	_ =	shalt  }
0x58: {  	_ =	shalt  }
0x59: {  	_ =	shalt  }
0x5a: {  	_ =	shalt  }
0x5b: {  	_ =	shalt  }
0x5c: {  	_ =	shalt  }
0x5d: {  	_ =	shalt  }
0x5e: {  	_ =	shalt  }
0x5f: {  	_ =	shalt  }
0x60: {  	_ =	shalt  }
0x61: {  	_ =	shalt  }
0x62: {  	_ =	shalt  }
0x63: {  	_ =	shalt  }
0x64: {  	_ =	shalt  }
0x65: {  	_ =	shalt  }
0x66: {  	_ =	shalt  }
0x67: {  	_ =	shalt  }
0x68: {  	_ =	shalt  }
0x69: {  	_ =	shalt  }
0x6a: {  	_ =	shalt  }
0x6b: {  	_ =	shalt  }
0x6c: {  	_ =	shalt  }
0x6d: {  	_ =	shalt  }
0x6e: {  	_ =	shalt  }
0x6f: {  	_ =	shalt  }
0x70: {  	_ =	shalt  }
0x71: {  	_ =	shalt  }
0x72: {  	_ =	shalt  }
0x73: {  	_ =	shalt  }
0x74: {  	_ =	shalt  }
0x75: {  	_ =	shalt  }
0x76: {  	_ =	shalt  }
0x77: {  	_ =	shalt  }
0x78: {  	_ =	shalt  }
0x79: {  	_ =	shalt  }
0x7a: {  	_ =	shalt  }
0x7b: {  	_ =	shalt  }
0x7c: {  	_ =	shalt  }
0x7d: {  	_ =	shalt  }
0x7e: {  	_ =	shalt  }
0x7f: {  	_ =	shalt  }
0x80: {  	_ =	shalt  }
0x81: {  	_ =	shalt  }
0x82: {  	_ =	shalt  }
0x83: {  	_ =	shalt  }
0x84: {  	_ =	shalt  }
0x85: {  	_ =	shalt  }
0x86: {  	_ =	shalt  }
0x87: {  	_ =	shalt  }
.Lfunc_end0:
.L_simem_size_0:
called_computation_lowered:
.L_overlay_start_0:
0x88: {  	s2 =	sld [smem:$0x3FD9]  }
0x89: {  	s3 =	sld [smem:$0x3FFE];
	_ =	sdelay $0x1  }
0x8a: {  	s1 =	srdreg.scid  }
0x8b: {  	s0 =	sand.u32 $0x1, s1  }
0x8c: {  	s17 =	sshll.u32 s0, $0xA;
	s2 =	sadd.s32 s3, s2  }
0x8d: {  	s2 =	sadd.s32 s2, s17  }
0x8e: {  	[smem:$0x3FC2] =	sst s2  }
0x8f: {  	_ = 	snop  }
0x90: {  	s2 =	sld [smem:$0x3FD0];
	(tm) =	ssettm $0x1  }
0x91: {  	s18 =	sld [smem:$0x3FFB];
	_ =	sdelay $0x3  }
0x92: {  	_ =	strace s18  }
0x93: {  	s3 =	sld [smem:$0x3FFC];
	_ =	sdelay $0x3  }
0x94: {  	_ =	strace s3  }
0x95: {  	s3 =	sld [smem:$0x3FFD];
	_ =	sdelay $0x3  }
0x96: {  	_ =	strace s3  }
0x97: {  	_ =	strace $0x8FFFFFFF  }
0x98: {  	s19 =	sld [smem:$0x3FDB];
	_ =	sdelay $0x1  }
0x99: {  	s4 =	simm.s32 $_scs_section_size  }
0x9a: {  	s5 =	simm.s32 $_size__tile_overlayer_lowered;
	s6 =	simm.s32 $_tile_overlayer_lowered  }
0x9b: {  	s22 =	simm.s32 $0x1BFF;
	s21 =	sshll.u32 s6, $0x1;
	s3 =	sadd.s32 s4, s19  }
0x9c: {  	s7 =	simm.s32 $0x0;
	s20 =	sshll.u32 s5, $0x1;
	s5 =	sadd.s32 s21, s3  }
0x9d: {  	[timem:s7], [sflag:s22] =	dma.local [hbm:s5], s20  }
0x9e: {  	_ =	swait.ge [sflag:s22], s20  }
0x9f: {  	s4 =	ssub.s32 $0x0, s20;
	[sflag:s22] =	ssyncset.done $0x0  }
0xa0: {  	[sflag:s22] =	ssyncadd.s32 s4;
	_ =	sdelay $0x1  }
0xa1: {  	s23 =	simm.s32 $0x1B8B  }
0xa2: {  	_ =	swait.ge [sflag:s23], $0x1  }
0xa3: {  	[sflag:s23] =	ssyncset.done $0x0  }
0xa4: {  	s25 =	simm.s32 $0x1B8E;
	s24 =	sld [smem:$0x3FFE];
	[sflag:s23] =	ssyncadd.s32 $0xFFFFFFFF  }
0xa5: {  	s26 =	simm.s32 $execute0_lowered;
	[smem:$0x3FD2] =	sst s25  }
0xa6: {  	s5 =	sshll.u32 s26, $0x1;
	_ =	strace $0x80000046;
	[dreg:$0x1] =	wrdreg $0xFFFFFFFF  }
0xa7: {  	s28 =	simm.s32 $_size_execute0_lowered;
	s3 =	sadd.s32 s3, s5;
	[dreg:$0x0] =	wrdreg $0x0  }
0xa8: {  	s5 =	sshll.u32 s28, $0x1;
	[dreg:$0x2] =	wrdreg s3  }
0xa9: {  	[dreg:$0x3] =	wrdreg s5  }
0xaa: {  	[dreg:$0x4] =	wrdreg $0xC0  }
0xab: {  	_ =	task [dreg:s7], $0x5FFFF  }
0xac: {  	[dreg:$0x1] =	wrdreg $0xFFFFFFFF  }
0xad: {  	[dreg:$0x0] =	wrdreg $0x60  }
0xae: {  	[dreg:$0x2] =	wrdreg s24  }
0xaf: {  	[dreg:$0x3] =	wrdreg s2  }
0xb0: {  	[dreg:$0x4] =	wrdreg $0x9  }
0xb1: {  	_ =	task.clear_ibuf [dreg:s7], $0x5FFFF;
	_ =	strace $0x90000046  }
0xb2: {  	s29 =	simm.s32 $0x9;
	_ =	strace $0x80000048  }
0xb3: {  	_ =	swait.ge [sflag:s29], $0x1  }
0xb4: {  	[sflag:s29] =	ssyncadd.s32 $0xFFFFFFFF  }
0xb5: {  	_ =	strace $0x90000048  }
0xb6: {  	_ =	sfence  }
0xb7: {  	s30 =	sld [smem:$0x0];
	_ =	sdelay $0x2  }
0xb8: {  	s31 =	sshll.u32 s1, $0xD;
	s1 =	sshrl.u32 s1, $0x2  }
0xb9: {  	s3 =	sand.u32 $0x4000, s31;
	s1 =	sadd.s32 s1, s30  }
0xba: {  	s0 =	sor.u32 s3, s0;
	s1 =	sshll.u32 s1, $0x11  }
0xbb: {  	s0 =	sor.u32 s1, s0  }
0xbc: {  	s0 =	sadd.s32 $0x8F2B, s0  }
0xbd: {  	[sflag:s0] =	ssyncadd.remote.s32 $0x1  }
0xbe: {  	_ =	sfence.sel $0xFFFF  }
0xbf: {  	[dreg:$0x0] =	wrdreg $0xFFFFFFFF;
	(pc) =	sbr.abs _section_cstart, $3  }
0xc0: {  	[dreg:$0x1] =	wrdreg $0xFFFFFFFF  }
0xc1: {  	_ =	task.clear_ibuf [dreg:s7], $0x2FFFF;
	_ =	strace $0x9FFFFFFF  }
0xc2: {  	(tm) =	ssettm $0x7FFFFFFF  }
0xc3: {  	_ =	shalt  }
tec
execute0_lowered:
.L_overlay_start_1:
0x0: {  	(tag) =	ssettag $0x1  }
0x1: {  	s4 =	rddreg [dreg:$0x0]  }
0x2: {  	s7 =	rddreg [dreg:$0x1];
	s2 =	srdreg.scid  }
0x3: {  	s0 =	rddreg [dreg:$0x2];
	s1 =	stileid.u32  }
0x4: {  	s10 =	simm.s32 $0x2;
	s11 =	simm.s32 $0x100;
	s12 =	simm.s32 $0x400  }
0x5: {  	s13 =	simm.s32 $0x500;
	s14 =	simm.s32 $0x3;
	s15 =	simm.s32 $0x600  }
0x6: {  	s16 =	simm.s32 $0x300;
	s17 =	simm.s32 $0x700;
	s18 =	simm.s32 $0x1  }
0x7: {  	s19 =	simm.s32 $0x800;
	s20 =	simm.s32 $0x4;
	s21 =	simm.s32 $0x0  }
0x8: {  	s3 =	sand.u32 $0x1, s2;
	s2 =	simm.s32 $0x0;
	s5 =	sshll.u32 s1, $0x7  }
0x9: {  	s6 =	sshll.u32 s3, $0x6;
	[smem:$0x7FF] =	sst s2;
	s31 =	ssub.s32 $0x2, s3  }
0xa: {  	s3 =	sadd.s32 $0x4E00, s4;
	s8 =	sor.u32 s6, s5;
	_ =	strace $0x80000047  }
0xb: {  	s9 =	sshrl.u32 s31, $0x1;
	s6 =	sadd.s32 s8, s4;
	s4 =	sadd.s32 $0x1C00, s4  }
0xc: {  	s9 =	ssub.s32 s31, s9;
	s7 =	sadd.s32 s7, s8;
	s5 =	sadd.s32 $0xC00, s6  }
0xd: {  	s6 =	sadd.s32 $0x1400, s6;
	s8 =	smax.u32 s9, $0x1;
	s9 =	simm.s32 $0x200  }
.LBB2_1:
0xe: {  	[tilespmem:s2], [sflag:$0x2] =	stream.linear.gather [hbm4b:s5+s2], $0x200, $0x38;
	[tilespmem:$0xA00] =	vst v63  }
0xf: {  	_ = 	snop  }
0x10: {  	[tilespmem:s9], [sflag:$0x3] =	stream.linear.gather [hbm4b:s6+s2], $0x200, $0x38;
	[tilespmem:$0xA00] =	vst v63  }
0x11: {  	_ =	swait.ge [sflag:s10], $0x200  }
0x12: {  	[sflag:s10] =	ssyncset.done $0x0  }
0x13: {  	[sflag:s10] =	ssyncadd.s32 $0xFFFFFE00  }
0x14: {  	[tilespmem:s12], [sflag:$0x1] =	stream.indirect.gather [hbm4b:s3+s11], $0x1, s2, s11, $0xb8;
	[tilespmem:$0xA00] =	vst v63  }
0x15: {  	_ = 	snop  }
0x16: {  	[tilespmem:s13], [sflag:$0x1] =	stream.indirect.gather [hbm4b:s3+s11], $0x1, s11, s11, $0xb8;
	[tilespmem:$0xA00] =	vst v63  }
0x17: {  	_ =	swait.ge [sflag:s14], $0x200  }
0x18: {  	[sflag:s14] =	ssyncset.done $0x0  }
0x19: {  	[sflag:s14] =	ssyncadd.s32 $0xFFFFFE00  }
0x1a: {  	[tilespmem:s15], [sflag:$0x1] =	stream.indirect.gather [hbm4b:s4+s11], $0x1, s9, s11, $0xb8;
	[tilespmem:$0xA00] =	vst v63  }
0x1b: {  	_ = 	snop  }
0x1c: {  	[tilespmem:s17], [sflag:$0x1] =	stream.indirect.gather [hbm4b:s4+s11], $0x1, s16, s11, $0xb8;
	[tilespmem:$0xA00] =	vst v63  }
0x1d: {  	_ =	swait.ge [sflag:s18], $0x100  }
0x1e: {  	[sflag:s18] =	ssyncset.done $0x0  }
0x1f: {  	[sflag:s18] =	ssyncadd.s32 $0xFFFFFF00  }
0x20: {  	_ =	swait.ge [sflag:s18], $0x100  }
0x21: {  	[sflag:s18] =	ssyncset.done $0x0  }
0x22: {  	[sflag:s18] =	ssyncadd.s32 $0xFFFFFF00  }
0x23: {  	_ =	swait.ge [sflag:s18], $0x100  }
0x24: {  	[sflag:s18] =	ssyncset.done $0x0  }
0x25: {  	[sflag:s18] =	ssyncadd.s32 $0xFFFFFF00  }
0x26: {  	_ =	swait.ge [sflag:s18], $0x100  }
0x27: {  	[sflag:s18] =	ssyncset.done $0x0  }
0x28: {  	s22 =	simm.s32 $0x0;
	[sflag:s18] =	ssyncadd.s32 $0xFFFFFF00  }
0x29: {  	v0 =	vld [tilespmem:s22+$0x400]  }
0x2a: {  	s23 =	simm.s32 $0x40;
	v1 =	vld [tilespmem:s22+$0x600]  }
.LBB2_2:
0x2b: {  	_ = 	snop  }
0x2c: {  	p0 =	sne.s32 s23, $0x7C0  }
.Ltmp0:
0x2d: {  	_ = 	snop;
	(pc) =	sbr.rel @p0 .LBB2_2-.Ltmp0, $4  }
0x2e: {  	_ = 	snop  }
0x2f: {  	s24 =	sshra.s32 s23, $0x2;
	v2 =	vadd.f32 v1, v0  }
0x30: {  	v0 =	vld [tilespmem:s24+$0x400]  }
0x31: {  	s23 =	sadd.s32 $0x40, s23;
	v1 =	vld [tilespmem:s24+$0x600];
	[tilespmem:s22+$0x800] =	vst v2;
	s22 =	smov.u32 s24  }
0x32: {  	_ =	sdelay $0x3  }
0x33: {  	s21 =	sadd.s32 $0x1, s21;
	v0 =	vadd.f32 v1, v0  }
0x34: {  	p0 =	sne.s32 s21, s8  }
.Ltmp1:
0x35: {  	[tilespmem:s22+$0x800] =	vst v0;
	(pc) =	sbr.rel @p0 .LBB2_1-.Ltmp1, $4  }
0x36: {  	[hbm4b:s7+s2] =	stream.linear.scatter [tilespmem:s19], [sflag:$0x4], $0x200, $0x38;
	[tilespmem:$0xA00] =	vst v63  }
0x37: {  	_ =	swait.ge [sflag:s20], $0x200  }
0x38: {  	[sflag:s20] =	ssyncset.done $0x0  }
0x39: {  	[sflag:s20] =	ssyncadd.s32 $0xFFFFFE00  }
0x3a: {  	_ =	sfence.sel $0x180000  }
0x3b: {  	[bflag:$0x0] =	sbarrier.arrive $0xFFFF  }
0x3c: {  	p0 =	sne.s32 s1, $0x0;
	_ =	strace $0x90000047  }
0x3d: {  	s0 =	sadd.s32 @!p0 $0x100000, s0;
	[bflag:$0x2] =	sbarrier.arrive $0xFFFF  }
0x3e: {  	[sflag:s0] =	ssyncadd.tile.s32 @!p0 $0x1;
	_ =	shalt  }
.Lfunc_end2:
_tile_overlayer_lowered:
.L_overlay_start_2:
0x3f: {  	(tag) =	ssettag $0x2  }
0x40: {  	s0 =	rddreg [dreg:$0x0];
	s2 =	stileid.u32  }
0x41: {  	s1 =	rddreg [dreg:$0x1];
	p0 =	sne.s32 s2, $0x0  }
0x42: {  	s3 =	rddreg [dreg:$0x2];
	[bflag:$0x3] =	sbarrier.arrive $0xFFFF;
	s2 =	simm.s32 @!p0 $0x1C04  }
0x43: {  	[timem:s3], [sflag:s2] =	dma.local @!p0 [hbm:s0], s1  }
0x44: {  	s0 =	simm.s32 @!p0 $0x4  }
0x45: {  	_ =	swait.ge @!p0 [sflag:s0], s1  }
0x46: {  	s1 =	ssub.s32 @!p0 $0x0, s1;
	[sflag:s0] =	ssyncset.done @!p0 $0x0  }
0x47: {  	[sflag:s0] =	ssyncadd.s32 @!p0 s1  }
0x48: {  	[bflag:$0x3] =	sbarrier.arrive $0xFFFF  }
0x49: {  	_ =	shalt  }

</sc_bundles>
